<compile_context>
chip_gen: v7x
topology: tpu7x:2x2x1
jax: 0.10.2.dev20260603
libtpu: 0.0.44.dev20260713+nightly
codegen_flags: <defaults>
</compile_context>

<pallas_src>
import jax
import jax.numpy as jnp
from jax import lax
from jax.experimental import pallas as pl
from jax.experimental.pallas import tpu as pltpu
from jax.experimental.pallas import tpu_sc as plsc

N_PAIRS = 16384
M_PAD = 1024
K_PAD = 32
L = 16
NW = 16
PAIRS_PER_W = N_PAIRS // NW
CHUNKS = PAIRS_PER_W // L
AUX = M_PAD + K_PAD + L

_LN2 = 0.6931471805599453
_SQRT2 = 1.4142135


def _ln(y):
    yi = lax.bitcast_convert_type(y, jnp.int32)
    e = (yi >> 23) - 127
    m = lax.bitcast_convert_type((yi & 0x7FFFFF) | 0x3F800000, jnp.float32)
    big = m > _SQRT2
    m = jnp.where(big, m * 0.5, m)
    ef = (e + big.astype(jnp.int32)).astype(jnp.float32)
    t = (m - 1.0) / (m + 1.0)
    t2 = t * t
    p = 2.0 * t * (1.0 + t2 * (1.0 / 3.0 + t2 * (0.2 + t2 * (1.0 / 7.0))))
    return ef * _LN2 + p


def _body(pairs_hbm, aux_hbm, out_hbm, pairs_v, aux_v, acc_v):
    wid = lax.axis_index("s")
    col0 = wid * PAIRS_PER_W
    pltpu.sync_copy(pairs_hbm.at[:, pl.ds(col0, PAIRS_PER_W)], pairs_v)
    pltpu.sync_copy(aux_hbm, aux_v)

    ki = aux_v[pl.ds(M_PAD + K_PAD, L)].astype(jnp.int32)
    bb = plsc.load_gather(aux_v, [ki + M_PAD])
    b = jnp.where(ki == 0, 1.0, bb)

    def chunk(j, acc):
        w_idx = pairs_v[0, pl.ds(j * L, L)]
        l_idx = pairs_v[1, pl.ds(j * L, L)]
        uw = plsc.load_gather(aux_v, [w_idx])
        ul = plsc.load_gather(aux_v, [l_idx])
        y = 1.0 + jnp.exp(b * (ul - uw))
        return acc + _ln(y)

    acc_v[...] = lax.fori_loop(0, CHUNKS, chunk, jnp.zeros((L,), jnp.float32))
    pltpu.sync_copy(acc_v, out_hbm.at[wid])


_sc_call = pl.kernel(
    _body,
    out_type=jax.ShapeDtypeStruct((NW, L), jnp.float32),
    mesh=plsc.VectorSubcoreMesh(
        core_axis_name="c", subcore_axis_name="s", num_cores=1, num_subcores=16),
    compiler_params=pltpu.CompilerParams(needs_layout_passes=False),
    scratch_types=[
        pltpu.VMEM((2, PAIRS_PER_W), jnp.int32),
        pltpu.VMEM((AUX,), jnp.float32),
        pltpu.VMEM((L,), jnp.float32),
    ],
)


def kernel(pairs, k, u, beta):
    aux = jnp.concatenate([
        u,
        jnp.zeros((M_PAD - u.shape[0],), jnp.float32),
        beta.astype(jnp.float32),
        jnp.zeros((K_PAD - beta.shape[0],), jnp.float32),
        jnp.full((L,), k, jnp.float32),
    ])
    partials = _sc_call(pairs.T, aux)
    return jnp.sum(partials)

# --- scband reference (transcript-rebuilt; emitter-appended) ---
"""Pipeline reference for scband-generalized-plackett-luce-11845519802590 (READ-ONLY COPY).

The authoritative reference and input builder live on the scoring server;
editing this copy changes nothing except your own understanding.
"""

import jax, jax.numpy as jnp
import numpy as np

M = 1000
K = 26
N_PAIRS = 16384

def setup_inputs(seed: int = 0) -> dict:
    key = jax.random.key(seed)
    k1, k2, k3 = jax.random.split(key, 3)
    pairs = jax.random.randint(k1, (N_PAIRS, 2), 0, M, dtype=jnp.int32)
    u = jax.random.normal(k2, (M,), dtype=jnp.float32) * 0.1
    beta = jnp.ones((K,), dtype=jnp.float32) + jax.random.normal(k3, (K,), dtype=jnp.float32) * 0.01
    return {"pairs": pairs, "k": 1, "u": u, "beta": beta}

def reference(pairs, k, u, beta):
    # Faithful translation of GeneralizedPlackettLuce._loss_func:
    # embedding lookup of item utilities followed by BT-style logistic loss
    u_winner = u[pairs[:, 0]]
    u_loser = u[pairs[:, 1]]
    b = jnp.where(k == 0, 1.0, beta[k])
    loss = jnp.sum(jnp.log(1.0 + jnp.exp(b * (u_loser - u_winner))))
    return loss

if __name__ == "__main__":
    import jax
    _d = setup_inputs()
    print(jax.jit(kernel)(*tuple(_d.values())))

</pallas_src>

<mosaic_0001>
#map = affine_map<(d0, d1) -> (0, 0)>
#map1 = affine_map<(d0, d1) -> (0)>
module attributes {stable_mosaic.version = 14 : i64} {
  func.func @_body(%arg0: i32, %arg1: i32, %arg2: memref<2x16384xi32, #tpu.memory_space<hbm>>, %arg3: memref<1072xf32, #tpu.memory_space<hbm>>, %arg4: memref<16x16xf32, #tpu.memory_space<hbm>>, %arg5: memref<2x1024xi32, #tpu.memory_space<vmem>>, %arg6: memref<1072xf32, #tpu.memory_space<vmem>>, %arg7: memref<16xf32, #tpu.memory_space<vmem>>) attributes {dimension_semantics = [#tpu.dimension_semantics<core_parallel>, #tpu.dimension_semantics<subcore_parallel>], iteration_bounds = array<i64: 1, 16>, scalar_prefetch = 0 : i64, scratch_operands = 3 : i64, tpu.core_type = #tpu.core_type<sc_vector_subcore>, window_params = [{transform_indices = #map}, {transform_indices = #map1}, {transform_indices = #map}]} {
    %mul3A = arith.constant 1024 : i32
    %mul3A_0 = arith.muli %arg1, %mul3A : i32
    "tpu.region"() ({
      %run_scoped3A = tpu.sem_alloc : memref<!tpu.dma_semaphore, #tpu.memory_space<semaphore_mem>>
      %dma_start3A = arith.constant 0 : i32
      %dma_start3A_14 = tpu.memref_slice %arg2[%dma_start3A, %mul3A_0] : memref<2x16384xi32, #tpu.memory_space<hbm>> -> memref<2x1024xi32, #tpu.memory_space<hbm>>
      %dma_start3A_15 = arith.constant 0 : i32
      %dma_start3A_16 = tpu.memref_slice %arg2[%dma_start3A_15, %mul3A_0] : memref<2x16384xi32, #tpu.memory_space<hbm>> -> memref<2x1024xi32, #tpu.memory_space<hbm>>
      tpu.enqueue_dma source(%dma_start3A_16 : memref<2x1024xi32, #tpu.memory_space<hbm>>) target(%arg5 : memref<2x1024xi32, #tpu.memory_space<vmem>>) target_semaphore(%run_scoped3A : memref<!tpu.dma_semaphore, #tpu.memory_space<semaphore_mem>>)
      %dma_wait3A = arith.constant 0 : i32
      %dma_wait3A_17 = tpu.memref_slice %arg2[%dma_wait3A, %mul3A_0] : memref<2x16384xi32, #tpu.memory_space<hbm>> -> memref<2x1024xi32, #tpu.memory_space<hbm>>
      %dma_wait3A_18 = arith.constant 0 : i32
      %dma_wait3A_19 = tpu.memref_slice %arg2[%dma_wait3A_18, %mul3A_0] : memref<2x16384xi32, #tpu.memory_space<hbm>> -> memref<2x1024xi32, #tpu.memory_space<hbm>>
      tpu.wait_dma2 semaphore(%run_scoped3A : memref<!tpu.dma_semaphore, #tpu.memory_space<semaphore_mem>>) src(%dma_wait3A_19 : memref<2x1024xi32, #tpu.memory_space<hbm>>) dst(%arg5 : memref<2x1024xi32, #tpu.memory_space<vmem>>)
      tpu.yield
    }) : () -> ()
    "tpu.region"() ({
      %run_scoped3A = tpu.sem_alloc : memref<!tpu.dma_semaphore, #tpu.memory_space<semaphore_mem>>
      tpu.enqueue_dma source(%arg3 : memref<1072xf32, #tpu.memory_space<hbm>>) target(%arg6 : memref<1072xf32, #tpu.memory_space<vmem>>) target_semaphore(%run_scoped3A : memref<!tpu.dma_semaphore, #tpu.memory_space<semaphore_mem>>)
      tpu.wait_dma2 semaphore(%run_scoped3A : memref<!tpu.dma_semaphore, #tpu.memory_space<semaphore_mem>>) src(%arg3 : memref<1072xf32, #tpu.memory_space<hbm>>) dst(%arg6 : memref<1072xf32, #tpu.memory_space<vmem>>)
      tpu.yield
    }) : () -> ()
    %get3A = arith.constant 1056 : index
    %get3A_1 = tpu.vector_load %arg6[%get3A] {strides = array<i32>} : memref<1072xf32, #tpu.memory_space<vmem>>, vector<16xf32>,
    %convert_element_type3A = arith.fptosi %get3A_1 : vector<16xf32> to vector<16xi32>
    %add3A = arith.constant 1024 : i32
    %add3A_2 = vector.broadcast %add3A : i32 to vector<16xi32>
    %add3A_3 = arith.addi %convert_element_type3A, %add3A_2 : vector<16xi32>
    %gather3A = tpu.vector_load_idx %arg6[%add3A_3] : memref<1072xf32, #tpu.memory_space<vmem>>[vector<16xi32>], vector<16xf32>,
    %eq3A = arith.constant 0 : i32
    %eq3A_4 = vector.broadcast %eq3A : i32 to vector<16xi32>
    %eq3A_5 = arith.cmpi eq, %convert_element_type3A, %eq3A_4 : vector<16xi32>
    %jit3A = arith.constant 1.000000e+00 : f32
    %broadcast_in_dim3A = vector.broadcast %jit3A : f32 to vector<16xf32>
    %select_n3A = arith.select %eq3A_5, %broadcast_in_dim3A, %gather3A : vector<16xi1>, vector<16xf32>
    %broadcast_in_dim3A_6 = arith.constant 0.000000e+00 : f32
    %broadcast_in_dim3A_7 = vector.broadcast %broadcast_in_dim3A_6 : f32 to vector<16xf32>
    %scan3A = arith.constant 0 : i32
    %scan3A_8 = arith.constant 64 : i32
    %scan3A_9 = arith.addi %scan3A, %scan3A_8 : i32
    %scan3A_10 = arith.constant 1 : i32
    %scan3A_11 = scf.for %scan3A_14 = %scan3A to %scan3A_9 step %scan3A_10 iter_args(%scan3A_15 = %broadcast_in_dim3A_7) -> (vector<16xf32>)  : i32 {
      %mul3A_16 = arith.constant 16 : i32
      %mul3A_17 = arith.muli %scan3A_14, %mul3A_16 : i32
      %get3A_18 = arith.constant 0 : i32
      %get3A_19 = arith.index_cast %get3A_18 : i32 to index
      %get3A_20 = arith.index_cast %mul3A_17 : i32 to index
      %get3A_21 = tpu.vector_load %arg5[%get3A_19, %get3A_20] {strides = array<i32>} : memref<2x1024xi32, #tpu.memory_space<vmem>>, vector<16xi32>,
      %mul3A_22 = arith.constant 16 : i32
      %mul3A_23 = arith.muli %scan3A_14, %mul3A_22 : i32
      %get3A_24 = arith.constant 1 : i32
      %get3A_25 = arith.index_cast %get3A_24 : i32 to index
      %get3A_26 = arith.index_cast %mul3A_23 : i32 to index
      %get3A_27 = tpu.vector_load %arg5[%get3A_25, %get3A_26] {strides = array<i32>} : memref<2x1024xi32, #tpu.memory_space<vmem>>, vector<16xi32>,
      %gather3A_28 = tpu.vector_load_idx %arg6[%get3A_21] : memref<1072xf32, #tpu.memory_space<vmem>>[vector<16xi32>], vector<16xf32>,
      %gather3A_29 = tpu.vector_load_idx %arg6[%get3A_27] : memref<1072xf32, #tpu.memory_space<vmem>>[vector<16xi32>], vector<16xf32>,
      %sub3A = arith.subf %gather3A_29, %gather3A_28 : vector<16xf32>
      %mul3A_30 = arith.mulf %select_n3A, %sub3A : vector<16xf32>
      %exp3A = math.exp %mul3A_30 : vector<16xf32>
      %add3A_31 = arith.constant 1.000000e+00 : f32
      %add3A_32 = vector.broadcast %add3A_31 : f32 to vector<16xf32>
      %add3A_33 = arith.addf %add3A_32, %exp3A : vector<16xf32>
      %bitcast_convert_type3A = tpu.bitcast %add3A_33 : vector<16xf32> -> vector<16xi32>
      %shift_right_arithmetic3A = arith.constant 23 : i32
      %shift_right_arithmetic3A_34 = vector.broadcast %shift_right_arithmetic3A : i32 to vector<16xi32>
      %shift_right_arithmetic3A_35 = arith.shrsi %bitcast_convert_type3A, %shift_right_arithmetic3A_34 : vector<16xi32>
      %sub3A_36 = arith.constant 127 : i32
      %sub3A_37 = vector.broadcast %sub3A_36 : i32 to vector<16xi32>
      %sub3A_38 = arith.subi %shift_right_arithmetic3A_35, %sub3A_37 : vector<16xi32>
      %and3A = arith.constant 8388607 : i32
      %and3A_39 = vector.broadcast %and3A : i32 to vector<16xi32>
      %and3A_40 = arith.andi %bitcast_convert_type3A, %and3A_39 : vector<16xi32>
      %or3A = arith.constant 1065353216 : i32
      %or3A_41 = vector.broadcast %or3A : i32 to vector<16xi32>
      %or3A_42 = arith.ori %and3A_40, %or3A_41 : vector<16xi32>
      %bitcast_convert_type3A_43 = tpu.bitcast %or3A_42 : vector<16xi32> -> vector<16xf32>
      %gt3A = arith.constant 1.41421354 : f32
      %gt3A_44 = vector.broadcast %gt3A : f32 to vector<16xf32>
      %gt3A_45 = arith.cmpf ogt, %bitcast_convert_type3A_43, %gt3A_44 : vector<16xf32>
      %mul3A_46 = arith.constant 5.000000e-01 : f32
      %mul3A_47 = vector.broadcast %mul3A_46 : f32 to vector<16xf32>
      %mul3A_48 = arith.mulf %bitcast_convert_type3A_43, %mul3A_47 : vector<16xf32>
      %select_n3A_49 = arith.select %gt3A_45, %mul3A_48, %bitcast_convert_type3A_43 : vector<16xi1>, vector<16xf32>
      %convert_element_type3A_50 = arith.extui %gt3A_45 : vector<16xi1> to vector<16xi32>
      %add3A_51 = arith.addi %sub3A_38, %convert_element_type3A_50 : vector<16xi32>
      %convert_element_type3A_52 = arith.sitofp %add3A_51 : vector<16xi32> to vector<16xf32>
      %sub3A_53 = arith.constant 1.000000e+00 : f32
      %sub3A_54 = vector.broadcast %sub3A_53 : f32 to vector<16xf32>
      %sub3A_55 = arith.subf %select_n3A_49, %sub3A_54 : vector<16xf32>
      %add3A_56 = arith.constant 1.000000e+00 : f32
      %add3A_57 = vector.broadcast %add3A_56 : f32 to vector<16xf32>
      %add3A_58 = arith.addf %select_n3A_49, %add3A_57 : vector<16xf32>
      %div3A = arith.divf %sub3A_55, %add3A_58 : vector<16xf32>
      %mul3A_59 = arith.mulf %div3A, %div3A : vector<16xf32>
      %mul3A_60 = arith.constant 2.000000e+00 : f32
      %mul3A_61 = vector.broadcast %mul3A_60 : f32 to vector<16xf32>
      %mul3A_62 = arith.mulf %mul3A_61, %div3A : vector<16xf32>
      %mul3A_63 = arith.constant 0.142857149 : f32
      %mul3A_64 = vector.broadcast %mul3A_63 : f32 to vector<16xf32>
      %mul3A_65 = arith.mulf %mul3A_59, %mul3A_64 : vector<16xf32>
      %add3A_66 = arith.constant 2.000000e-01 : f32
      %add3A_67 = vector.broadcast %add3A_66 : f32 to vector<16xf32>
      %add3A_68 = arith.addf %add3A_67, %mul3A_65 : vector<16xf32>
      %mul3A_69 = arith.mulf %mul3A_59, %add3A_68 : vector<16xf32>
      %add3A_70 = arith.constant 0.333333343 : f32
      %add3A_71 = vector.broadcast %add3A_70 : f32 to vector<16xf32>
      %add3A_72 = arith.addf %add3A_71, %mul3A_69 : vector<16xf32>
      %mul3A_73 = arith.mulf %mul3A_59, %add3A_72 : vector<16xf32>
      %add3A_74 = arith.constant 1.000000e+00 : f32
      %add3A_75 = vector.broadcast %add3A_74 : f32 to vector<16xf32>
      %add3A_76 = arith.addf %add3A_75, %mul3A_73 : vector<16xf32>
      %mul3A_77 = arith.mulf %mul3A_62, %add3A_76 : vector<16xf32>
      %mul3A_78 = arith.constant 0.693147182 : f32
      %mul3A_79 = vector.broadcast %mul3A_78 : f32 to vector<16xf32>
      %mul3A_80 = arith.mulf %convert_element_type3A_52, %mul3A_79 : vector<16xf32>
      %add3A_81 = arith.addf %mul3A_80, %mul3A_77 : vector<16xf32>
      %add3A_82 = arith.addf %scan3A_15, %add3A_81 : vector<16xf32>
      scf.yield %add3A_82 : vector<16xf32>
    }
    %scan3A_12 = arith.constant 64 : i32
    %swap3A = arith.constant 0 : index
    %swap3A_13 = tpu.vector_load %arg7[%swap3A] {strides = array<i32>} : memref<16xf32, #tpu.memory_space<vmem>>, vector<16xf32>,
    tpu.vector_store %arg7[%swap3A], %scan3A_11 {strides = array<i32>} : memref<16xf32, #tpu.memory_space<vmem>>, vector<16xf32>,
    "tpu.region"() ({
      %run_scoped3A = tpu.sem_alloc : memref<!tpu.dma_semaphore, #tpu.memory_space<semaphore_mem>>
      %dma_start3A = arith.constant 0 : i32
      %dma_start3A_14 = tpu.memref_slice %arg4[%arg1, %dma_start3A] : memref<16x16xf32, #tpu.memory_space<hbm>> -> memref<1x16xf32, #tpu.memory_space<hbm>>
      %dma_start3A_15 = tpu.memref_squeeze %dma_start3A_14 : memref<1x16xf32, #tpu.memory_space<hbm>> -> memref<16xf32, #tpu.memory_space<hbm>>
      %dma_start3A_16 = arith.constant 0 : i32
      %dma_start3A_17 = tpu.memref_slice %arg4[%arg1, %dma_start3A_16] : memref<16x16xf32, #tpu.memory_space<hbm>> -> memref<1x16xf32, #tpu.memory_space<hbm>>
      %dma_start3A_18 = tpu.memref_squeeze %dma_start3A_17 : memref<1x16xf32, #tpu.memory_space<hbm>> -> memref<16xf32, #tpu.memory_space<hbm>>
      tpu.enqueue_dma source(%arg7 : memref<16xf32, #tpu.memory_space<vmem>>) target(%dma_start3A_18 : memref<16xf32, #tpu.memory_space<hbm>>) target_semaphore(%run_scoped3A : memref<!tpu.dma_semaphore, #tpu.memory_space<semaphore_mem>>)
      %dma_wait3A = arith.constant 0 : i32
      %dma_wait3A_19 = tpu.memref_slice %arg4[%arg1, %dma_wait3A] : memref<16x16xf32, #tpu.memory_space<hbm>> -> memref<1x16xf32, #tpu.memory_space<hbm>>
      %dma_wait3A_20 = tpu.memref_squeeze %dma_wait3A_19 : memref<1x16xf32, #tpu.memory_space<hbm>> -> memref<16xf32, #tpu.memory_space<hbm>>
      %dma_wait3A_21 = arith.constant 0 : i32
      %dma_wait3A_22 = tpu.memref_slice %arg4[%arg1, %dma_wait3A_21] : memref<16x16xf32, #tpu.memory_space<hbm>> -> memref<1x16xf32, #tpu.memory_space<hbm>>
      %dma_wait3A_23 = tpu.memref_squeeze %dma_wait3A_22 : memref<1x16xf32, #tpu.memory_space<hbm>> -> memref<16xf32, #tpu.memory_space<hbm>>
      tpu.wait_dma2 semaphore(%run_scoped3A : memref<!tpu.dma_semaphore, #tpu.memory_space<semaphore_mem>>) src(%arg7 : memref<16xf32, #tpu.memory_space<vmem>>) dst(%dma_wait3A_23 : memref<16xf32, #tpu.memory_space<hbm>>)
      tpu.yield
    }) : () -> ()
    return
  }
}

</mosaic_0001>

<sc_bundles>
// kernel: kernel.3.cloned.1.call-start
scs
__scs_entry_jumppad:
0x0: {  	(pc) =	sbr.rel $0x88, $3  }
0x1: {  	(tag) =	ssettag $0x0;
	lr =	simm.s32 $0x1  }
0x2: {  	[smem:$0x3F9D] =	sst lr;
	_ =	strace $0xD0000000  }
0x3: {  	_ = 	snop  }
0x4: {  	_ = 	snop  }
0x5: {  	_ = 	snop  }
0x6: {  	_ = 	snop  }
0x7: {  	_ = 	snop  }
__scs_overlays_trampoline_lowered:
0x8: {  	[smem:$0x3FAC] =	sst s0  }
0x9: {  	[smem:$0x3FAD] =	sst s1  }
0xa: {  	[smem:$0x3FAE] =	sst s2  }
0xb: {  	[smem:$0x3FAF] =	sst s3  }
0xc: {  	[smem:$0x3FB0] =	sst s4  }
0xd: {  	[smem:$0x3FB1] =	sst s5  }
0xe: {  	[smem:$0x3FB2] =	sst s6  }
0xf: {  	[smem:$0x3FB3] =	sst s7  }
0x10: {  	[smem:$0x3FB4] =	sst s8  }
0x11: {  	[smem:$0x3FB5] =	sst s9;
	s0 =	simm.s32 @!p0 $0x0  }
0x12: {  	s1 =	sld [smem:$0x3F9B];
	s0 =	simm.s32 @p0 $0x1  }
0x13: {  	[smem:$0x3FB6] =	sst s0;
	s0 =	simm.s32 @!p1 $0x0  }
0x14: {  	s2 =	sld [smem:$0x3F9A];
	s0 =	simm.s32 @p1 $0x1  }
0x15: {  	[smem:$0x3FB7] =	sst s0;
	s0 =	simm.s32 @!p2 $0x0  }
0x16: {  	s3 =	sld [smem:$0x3FDB];
	s0 =	simm.s32 @p2 $0x1  }
0x17: {  	s4 =	simm.s32 $0x1BF5;
	[smem:$0x3FB9] =	sst s0  }
0x18: {  	s0 =	sld [smem:$0x3F9C];
	_ =	swait.ge [sflag:s4], $0x0  }
0x19: {  	s7 =	sld [smem:$0x3F9D]  }
0x1a: {  	s8 =	sadd.s32 $0xFFFFE003, lr  }
0x1b: {  	s9 =	sadd.s32 $0xFFFFFEF7, lr;
	s5 =	simm.s32 $0xFFFFFFFF;
	p2 =	slt.u32 s8, $0xFFFFF086  }
0x1c: {  	p1 =	slt.u32 s9, $0xF7A;
	s5 =	simm.s32 @!p2 $0x0  }
0x1d: {  	s5 =	simm.s32 @p1 $0x1;
	p0 =	seq.s32 s7, s2  }
0x1e: {  	s7 =	smul.u32 @!p0 $0xF7A, s2;
	p2 =	seq.s32 @!p0 s5, $0x0  }
0x1f: {  	s9 =	smul.u32 $0xF7A, s1;
	s8 =	simm.s32 @!p0 $0x1BF5;
	p2 =	por !p2, p0  }
0x20: {  	[sflag:s8] =	ssyncset.s32 @!p0 $0xFFFFF086;
	s6 =	sadd.s32 @!p0 s3, s7;
	s7 =	simm.s32 @!p0 $0x108  }
0x21: {  	s3 =	sadd.s32 s3, s9;
	s6 =	sadd.s32 @!p0 $0x88, s6;
	s7 =	simm.s32 @p2 $0x1082  }
0x22: {  	[simem:s7], [sflag:s8] =	dma.local @!p0 [hbm:s6], $0xF7A  }
0x23: {  	s9 =	sor.u32 $0xD0000000, s2;
	s6 =	simm.s32 $0x108;
	_ =	swait.ge @!p0 [sflag:s8], $0x0  }
0x24: {  	s3 =	sadd.s32 $0x88, s3;
	s6 =	simm.s32 @!p1 $0x1082;
	[sflag:s4] =	ssyncset.s32 $0xFFFFF086  }
0x25: {  	[simem:s6], [sflag:s4] =	dma.local [hbm:s3], $0xF7A  }
0x26: {  	[smem:$0x3F9D] =	sst s1;
	(tag) =	ssettag s2;
	_ =	strace s9  }
0x27: {  	s1 =	sld [smem:$0x3FAD]  }
0x28: {  	s2 =	sld [smem:$0x3FAE]  }
0x29: {  	s4 =	sld [smem:$0x3FB0]  }
0x2a: {  	p0 =	seq.s32 s5, $0x0;
	s5 =	sld [smem:$0x3FB1]  }
0x2b: {  	s6 =	sld [smem:$0x3FB2]  }
0x2c: {  	s7 =	sld [smem:$0x3FB3]  }
0x2d: {  	s3 =	simm.s32 $0x108;
	s8 =	sld [smem:$0x3FB4]  }
0x2e: {  	s3 =	simm.s32 @!p0 $0x1082;
	s9 =	sld [smem:$0x3FB5]  }
0x2f: {  	lr =	sadd.s32 s0, s3;
	s0 =	sld [smem:$0x3FAC]  }
0x30: {  	s3 =	sld [smem:$0x3FAF]  }
0x31: {  	[smem:$0x3FB8] =	sst s10  }
0x32: {  	s10 =	sld [smem:$0x3FB6];
	_ =	sdelay $0x3  }
0x33: {  	p0 =	seq.s32 s10, $0x1;
	s10 =	sld [smem:$0x3FB8];
	_ =	sdelay $0x3  }
0x34: {  	[smem:$0x3FB8] =	sst s10  }
0x35: {  	s10 =	sld [smem:$0x3FB7];
	_ =	sdelay $0x3  }
0x36: {  	p1 =	seq.s32 s10, $0x1;
	s10 =	sld [smem:$0x3FB8];
	_ =	sdelay $0x3  }
0x37: {  	[smem:$0x3FB8] =	sst s10  }
0x38: {  	s10 =	sld [smem:$0x3FB9]  }
0x39: {  	_ = 	snop;
	(pc) =	sbr.ind lr, $3  }
0x3a: {  	_ = 	snop  }
0x3b: {  	_ = 	snop  }
0x3c: {  	p2 =	seq.s32 s10, $0x1;
	s10 =	sld [smem:$0x3FB8]  }
0x3d: {  	_ =	shalt  }
0x3e: {  	_ =	shalt  }
0x3f: {  	_ =	shalt  }
0x40: {  	_ =	shalt  }
0x41: {  	_ =	shalt  }
0x42: {  	_ =	shalt  }
0x43: {  	_ =	shalt  }
0x44: {  	_ =	shalt  }
0x45: {  	_ =	shalt  }
0x46: {  	_ =	shalt  }
0x47: {  	_ =	shalt  }
0x48: {  	_ =	shalt  }
0x49: {  	_ =	shalt  }
0x4a: {  	_ =	shalt  }
0x4b: {  	_ =	shalt  }
0x4c: {  	_ =	shalt  }
0x4d: {  	_ =	shalt  }
0x4e: {  	_ =	shalt  }
0x4f: {  	_ =	shalt  }
0x50: {  	_ =	shalt  }
0x51: {  	_ =	shalt  }
0x52: {  	_ =	shalt  }
0x53: {  	_ =	shalt  }
0x54: {  	_ =	shalt  }
0x55: {  	_ =	shalt  }
0x56: {  	_ =	shalt  }
0x57: {  	_ =	shalt  }
0x58: {  	_ =	shalt  }
0x59: {  	_ =	shalt  }
0x5a: {  	_ =	shalt  }
0x5b: {  	_ =	shalt  }
0x5c: {  	_ =	shalt  }
0x5d: {  	_ =	shalt  }
0x5e: {  	_ =	shalt  }
0x5f: {  	_ =	shalt  }
0x60: {  	_ =	shalt  }
0x61: {  	_ =	shalt  }
0x62: {  	_ =	shalt  }
0x63: {  	_ =	shalt  }
0x64: {  	_ =	shalt  }
0x65: {  	_ =	shalt  }
0x66: {  	_ =	shalt  }
0x67: {  	_ =	shalt  }
0x68: {  	_ =	shalt  }
0x69: {  	_ =	shalt  }
0x6a: {  	_ =	shalt  }
0x6b: {  	_ =	shalt  }
0x6c: {  	_ =	shalt  }
0x6d: {  	_ =	shalt  }
0x6e: {  	_ =	shalt  }
0x6f: {  	_ =	shalt  }
0x70: {  	_ =	shalt  }
0x71: {  	_ =	shalt  }
0x72: {  	_ =	shalt  }
0x73: {  	_ =	shalt  }
0x74: {  	_ =	shalt  }
0x75: {  	_ =	shalt  }
0x76: {  	_ =	shalt  }
0x77: {  	_ =	shalt  }
0x78: {  	_ =	shalt  }
0x79: {  	_ =	shalt  }
0x7a: {  	_ =	shalt  }
0x7b: {  	_ =	shalt  }
0x7c: {  	_ =	shalt  }
0x7d: {  	_ =	shalt  }
0x7e: {  	_ =	shalt  }
0x7f: {  	_ =	shalt  }
0x80: {  	_ =	shalt  }
0x81: {  	_ =	shalt  }
0x82: {  	_ =	shalt  }
0x83: {  	_ =	shalt  }
0x84: {  	_ =	shalt  }
0x85: {  	_ =	shalt  }
0x86: {  	_ =	shalt  }
0x87: {  	_ =	shalt  }
.Lfunc_end0:
.L_simem_size_0:
called_computation_lowered:
.L_overlay_start_0:
0x88: {  	s0 =	sld [smem:$0x3FD9]  }
0x89: {  	s1 =	sld [smem:$0x3FFE];
	_ =	sdelay $0x3  }
0x8a: {  	s0 =	sadd.s32 s1, s0  }
0x8b: {  	[smem:$0x3FC4] =	sst s0  }
0x8c: {  	_ = 	snop  }
0x8d: {  	s0 =	sld [smem:$0x3FC9];
	(tm) =	ssettm $0x1  }
0x8e: {  	s16 =	sld [smem:$0x3FFB];
	_ =	sdelay $0x3  }
0x8f: {  	_ =	strace s16  }
0x90: {  	s1 =	sld [smem:$0x3FFC];
	_ =	sdelay $0x3  }
0x91: {  	_ =	strace s1  }
0x92: {  	s1 =	sld [smem:$0x3FFD];
	_ =	sdelay $0x3  }
0x93: {  	_ =	strace s1  }
0x94: {  	_ =	strace $0x8FFFFFFF  }
0x95: {  	s17 =	sld [smem:$0x3FDB];
	_ =	sdelay $0x1  }
0x96: {  	s2 =	simm.s32 $_scs_section_size  }
0x97: {  	s3 =	simm.s32 $_size__tile_overlayer_lowered;
	s4 =	simm.s32 $_tile_overlayer_lowered  }
0x98: {  	s20 =	simm.s32 $0x1BFF;
	s19 =	sshll.u32 s4, $0x1;
	s1 =	sadd.s32 s2, s17  }
0x99: {  	s5 =	simm.s32 $0x0;
	s18 =	sshll.u32 s3, $0x1;
	s3 =	sadd.s32 s19, s1  }
0x9a: {  	[timem:s5], [sflag:s20] =	dma.local [hbm:s3], s18  }
0x9b: {  	_ =	swait.ge [sflag:s20], s18  }
0x9c: {  	s2 =	ssub.s32 $0x0, s18;
	[sflag:s20] =	ssyncset.done $0x0  }
0x9d: {  	[sflag:s20] =	ssyncadd.s32 s2;
	_ =	sdelay $0x1  }
0x9e: {  	s21 =	simm.s32 $0x1B8B  }
0x9f: {  	_ =	swait.ge [sflag:s21], $0x1  }
0xa0: {  	[sflag:s21] =	ssyncset.done $0x0  }
0xa1: {  	s23 =	simm.s32 $0x1B8E;
	s22 =	sld [smem:$0x3FFE];
	[sflag:s21] =	ssyncadd.s32 $0xFFFFFFFF  }
0xa2: {  	s24 =	simm.s32 $execute0_lowered;
	[smem:$0x3FD2] =	sst s23  }
0xa3: {  	s3 =	sshll.u32 s24, $0x1;
	_ =	strace $0x80000046;
	[dreg:$0x1] =	wrdreg $0xFFFFFFFF  }
0xa4: {  	s25 =	simm.s32 $_size_execute0_lowered;
	s1 =	sadd.s32 s1, s3;
	[dreg:$0x0] =	wrdreg $0x0  }
0xa5: {  	s3 =	sshll.u32 s25, $0x1;
	[dreg:$0x2] =	wrdreg s1  }
0xa6: {  	[dreg:$0x3] =	wrdreg s3  }
0xa7: {  	[dreg:$0x4] =	wrdreg $0xC0  }
0xa8: {  	_ =	task [dreg:s5], $0x5FFFF  }
0xa9: {  	[dreg:$0x1] =	wrdreg $0xFFFFFFFF  }
0xaa: {  	[dreg:$0x0] =	wrdreg $0x60  }
0xab: {  	[dreg:$0x2] =	wrdreg s0  }
0xac: {  	[dreg:$0x3] =	wrdreg s22  }
0xad: {  	[dreg:$0x4] =	wrdreg $0x9  }
0xae: {  	_ =	task.clear_ibuf [dreg:s5], $0x5FFFF;
	_ =	strace $0x90000046  }
0xaf: {  	s26 =	simm.s32 $0x9;
	_ =	strace $0x80000048  }
0xb0: {  	_ =	swait.ge [sflag:s26], $0x1  }
0xb1: {  	[sflag:s26] =	ssyncadd.s32 $0xFFFFFFFF  }
0xb2: {  	_ =	strace $0x90000048  }
0xb3: {  	_ =	sfence  }
0xb4: {  	s28 =	sld [smem:$0x0];
	_ =	sdelay $0x1  }
0xb5: {  	s29 =	srdreg.scid  }
0xb6: {  	s30 =	sshll.u32 s29, $0xD;
	s31 =	sshrl.u32 s29, $0x2  }
0xb7: {  	s2 =	sand.u32 $0x4000, s30;
	s1 =	sand.u32 $0x1, s29;
	s0 =	sadd.s32 s31, s28  }
0xb8: {  	s1 =	sor.u32 s2, s1;
	s0 =	sshll.u32 s0, $0x11  }
0xb9: {  	s0 =	sor.u32 s0, s1  }
0xba: {  	s0 =	sadd.s32 $0x8F2B, s0  }
0xbb: {  	[sflag:s0] =	ssyncadd.remote.s32 $0x1  }
0xbc: {  	_ =	sfence.sel $0xFFFF  }
0xbd: {  	[dreg:$0x0] =	wrdreg $0xFFFFFFFF;
	(pc) =	sbr.abs _section_cstart, $3  }
0xbe: {  	[dreg:$0x1] =	wrdreg $0xFFFFFFFF  }
0xbf: {  	_ =	task.clear_ibuf [dreg:s5], $0x2FFFF;
	_ =	strace $0x9FFFFFFF  }
0xc0: {  	(tm) =	ssettm $0x7FFFFFFF  }
0xc1: {  	_ =	shalt  }
tec
execute0_lowered:
.L_overlay_start_1:
0x0: {  	(tag) =	ssettag $0x1  }
0x1: {  	s3 =	rddreg [dreg:$0x0]  }
0x2: {  	s2 =	rddreg [dreg:$0x1]  }
0x3: {  	s0 =	rddreg [dreg:$0x2];
	s4 =	simm.s32 $0x0;
	s1 =	stileid.u32  }
0x4: {  	[smem:$0x7FF] =	sst s4;
	s5 =	sshll.u32 s1, $0x8  }
0x5: {  	s17 =	simm.s32 $0x1;
	_ =	strace $0x80000047;
	s3 =	sadd.s32 s3, s5  }
0x6: {  	[tilespmem:s4], [sflag:$0x1] =	stream.linear.gather [hbm4b:s3+s4], $0x800, $0x38;
	[tilespmem:$0xD00] =	vst v63  }
0x7: {  	_ =	swait.ge [sflag:s17], $0x800  }
0x8: {  	[sflag:s17] =	ssyncset.done $0x0  }
0x9: {  	s6 =	sadd.s32 $0x400, s2;
	s3 =	simm.s32 $0x800;
	[sflag:s17] =	ssyncadd.s32 $0xFFFFF800  }
0xa: {  	[tilespmem:s3], [sflag:$0x1] =	stream.linear.gather [hbm4b:s6+s4], $0x480, $0x38;
	[tilespmem:$0xD00] =	vst v63  }
0xb: {  	_ =	swait.ge [sflag:s17], $0x480  }
0xc: {  	[sflag:s17] =	ssyncset.done $0x0  }
0xd: {  	[sflag:s17] =	ssyncadd.s32 $0xFFFFFB80  }
0xe: {  	v0 =	vld [tilespmem:$0xC20]  }
0xf: {  	s18 =	sand.u32 $0x70, s4;
	s4 =	sand.u32 $0x700, s4  }
0x10: {  	s4 =	sor.u32 s18, s4  }
0x11: {  	v1 =	vld [tilespmem:s4+$0x0]  }
0x12: {  	v2 =	vld [tilespmem:s4+$0x80]  }
0x13: {  	v0 =	vtrunc.f32 v0  }
0x14: {  	v0 =	vcvt.f32.s32 v0  }
0x15: {  	s19 =	simm.s32 $0x10;
	s20 =	simm.s32 $0x20  }
0x16: {  	s5 =	sand.u32 $0x700, s20;
	s4 =	sand.u32 $0x70, s19;
	v3 =	vadd.s32 $0x400, v0  }
0x17: {  	s4 =	sor.u32 s4, s5  }
0x18: {  	v4 =	vld [tilespmem:s4+$0x0]  }
0x19: {  	v1 =	vld.idx.msk [tilespmem:v1+s3+$0x0], $0xffff  }
0x1a: {  	v2 =	vld.idx.msk [tilespmem:v2+s3+$0x0], $0xffff  }
0x1b: {  	v3 =	vld.idx.msk [tilespmem:v3+s3+$0x0], $0xffff;
	_ =	sdelay $0x2  }
0x1c: {  	v5 =	vld [tilespmem:s4+$0x80]  }
0x1d: {  	vm0 =	veq.s32 v0, $0x0;
	v0 =	vsub.f32 v2, v1  }
0x1e: {  	s21 =	simm.s32 $0x20;
	s22 =	simm.s32 $0x40;
	v1 =	vsel vm0, $0x3F800000, v3  }
0x1f: {  	s5 =	sand.u32 $0x700, s22;
	s4 =	sand.u32 $0x70, s21;
	v0 =	vmul.f32 v0, v1  }
0x20: {  	s4 =	sor.u32 s4, s5;
	v2 =	vld.idx.msk [tilespmem:v4+s3+$0x0], $0xffff  }
0x21: {  	v3 =	vld [tilespmem:s4+$0x0];
	v0 =	vmul.f32 $1.442695020e+00, v0  }
0x22: {  	v4 =	vld [tilespmem:s4+$0x80]  }
0x23: {  	(erf) = vpow2.f32 v0  }
0x24: {  	v5 =	vld.idx.msk [tilespmem:v5+s3+$0x0], $0xffff;
	_ =	sdelay $0x4  }
0x25: {  	v0 =	vsub.f32 v5, v2;
	v2 =	vld.idx.msk [tilespmem:v3+s3+$0x0], $0xffff  }
0x26: {  	s23 =	simm.s32 $0x30;
	s24 =	simm.s32 $0x60;
	v3 =	vld.idx.msk [tilespmem:v4+s3+$0x0], $0xffff  }
0x27: {  	s5 =	sand.u32 $0x700, s24;
	s4 =	sand.u32 $0x70, s23;
	v0 =	vmul.f32 v0, v1  }
0x28: {  	s4 =	sor.u32 s4, s5;
	v4 =	vpop (erf)  }
0x29: {  	v6 =	vld [tilespmem:s4+$0x80];
	v0 =	vmul.f32 $1.442695020e+00, v0;
	v4 =	vadd.f32 $1.000000000e+00, v4  }
0x2a: {  	v5 =	vld [tilespmem:s4+$0x0]  }
0x2b: {  	(erf) = vpow2.f32 v0;
	v0 =	vsub.f32 v3, v2;
	v2 =	vand.u32 $0x7FFFFF, v4  }
0x2c: {  	v2 =	vor.u32 $0x3F800000, v2  }
0x2d: {  	v3 =	vmul.f32 $5.000000000e-01, v2  }
0x2e: {  	vm0 =	vgt.f32 v2, $1.414213540e+00  }
0x2f: {  	v0 =	vmul.f32 v0, v1;
	v2 =	vsel vm0, v3, v2  }
0x30: {  	v3 =	vadd.f32 $1.000000000e+00, v2  }
0x31: {  	s25 =	simm.s32 $0x40;
	s26 =	simm.s32 $0x80;
	v6 =	vld.idx.msk [tilespmem:v6+s3+$0x0], $0xffff;
	v0 =	vmul.f32 $1.442695020e+00, v0  }
0x32: {  	s5 =	sand.u32 $0x700, s26;
	s4 =	sand.u32 $0x70, s25;
	v5 =	vld.idx.msk [tilespmem:v5+s3+$0x0], $0xffff  }
0x33: {  	s4 =	sor.u32 s4, s5;
	(erf) = vpow2.f32 v0  }
0x34: {  	v7 =	vld [tilespmem:s4+$0x80];
	(erf) = vrcp.f32 v3;
	v3 =	vpop (erf)  }
0x35: {  	v0 =	vld [tilespmem:s4+$0x0];
	v3 =	vadd.f32 $1.000000000e+00, v3;
	_ =	sdelay $0x1  }
0x36: {  	v5 =	vsub.f32 v6, v5;
	v6 =	vand.u32 $0x7FFFFF, v3  }
0x37: {  	v6 =	vor.u32 $0x3F800000, v6  }
0x38: {  	v5 =	vmul.f32 v5, v1;
	v8 =	vmul.f32 $5.000000000e-01, v6  }
0x39: {  	vm1 =	vgt.f32 v6, $1.414213540e+00  }
0x3a: {  	s28 =	simm.s32 $0x50;
	s29 =	simm.s32 $0xA0;
	v5 =	vmul.f32 $1.442695020e+00, v5;
	v6 =	vsel vm1, v8, v6  }
0x3b: {  	s5 =	sand.u32 $0x700, s29;
	v7 =	vld.idx.msk [tilespmem:v7+s3+$0x0], $0xffff;
	s4 =	sand.u32 $0x70, s28;
	v8 =	vadd.f32 $1.000000000e+00, v6  }
0x3c: {  	s4 =	sor.u32 s4, s5;
	v2 =	vadd.f32 $-1.000000000e+00, v2;
	(erf) = vpow2.f32 v5;
	v0 =	vld.idx.msk [tilespmem:v0+s3+$0x0], $0xffff;
	v9 =	vpop (erf)  }
0x3d: {  	v11 =	vld [tilespmem:s4+$0x0];
	v10 =	vpop (erf);
	(erf) = vrcp.f32 v8  }
0x3e: {  	v10 =	vmul.f32 v10, v2;
	_ =	sdelay $0x1  }
0x3f: {  	v2 =	vadd.f32 $1.000000000e+00, v9;
	v8 =	vld [tilespmem:s4+$0x80];
	v12 =	vmul.f32 v10, v10  }
0x40: {  	v0 =	vsub.f32 v7, v0  }
0x41: {  	v4 =	vshra.s32 v4, $0x17;
	v9 =	vand.u32 $0x7FFFFF, v2;
	v7 =	vmul.f32 $1.428571490e-01, v12  }
0x42: {  	vm0 =	vmmov vm0;
	v13 =	vmul.f32 v0, v1;
	v9 =	vor.u32 $0x3F800000, v9  }
0x43: {  	vm2 =	vmmov vm0;
	v14 =	vmul.f32 $5.000000000e-01, v9;
	v7 =	vadd.f32 $2.000000030e-01, v7  }
0x44: {  	v16 =	vld.idx.msk [tilespmem:v11+s3+$0x0], $0xffff;
	v6 =	vadd.f32 $-1.000000000e+00, v6;
	v11 =	vpop (erf);
	v13 =	vmul.f32 $1.442695020e+00, v13;
	vm0 =	vgt.f32 v9, $1.414213540e+00  }
0x45: {  	s30 =	simm.s32 $0x60;
	v0 =	vimm.s32 $0x0;
	s4 =	simm.s32 $0xC0;
	v15 =	vmul.f32 v7, v12;
	v7 =	vsel vm0, v14, v9;
	v9 =	vpop (erf)  }
0x46: {  	s5 =	sand.u32 $0x70, s30;
	s31 =	sand.u32 $0x700, s4;
	(erf) = vpow2.f32 v13;
	v6 =	vmul.f32 v9, v6;
	v9 =	vsel vm2, $0x1, v0  }
0x47: {  	s5 =	sor.u32 s5, s31;
	v17 =	vld.idx.msk [tilespmem:v8+s3+$0x0], $0xffff;
	v8 =	vadd.f32 $1.000000000e+00, v7;
	v13 =	vadd.f32 $3.333333430e-01, v15;
	v9 =	vadd.s32 v9, v4  }
0x48: {  	v4 =	vadd.f32 $1.000000000e+00, v11;
	v11 =	vadd.s32 $0xFFFFFF81, v9;
	v9 =	vld [tilespmem:s5+$0x0]  }
0x49: {  	(erf) = vrcp.f32 v8;
	v13 =	vmul.f32 v13, v12;
	v12 =	vadd.f32 v10, v10;
	v10 =	vld [tilespmem:s5+$0x80]  }
0x4a: {  	v5 =	vimm.f32 $0.0e+00;
	v8 =	vmul.f32 v6, v6  }
0x4b: {  	vm1 =	vmmov vm1;
	v14 =	vadd.f32 $1.000000000e+00, v13;
	v11 =	vcvt.s32.f32 v11  }
0x4c: {  	s2 =	sadd.s32 $0x600, s2;
	vm1 =	vmmov vm1;
	s5 =	simm.s32 $0x70;
	v15 =	vsub.f32 v17, v16;
	v13 =	vmul.f32 $1.428571490e-01, v8  }
.LBB2_1:
0x4d: {  	p0 =	sne.s32 s5, $0x3F0;
	v16 =	vand.u32 $0x7FFFFF, v4;
	v18 =	vmul.f32 v14, v12;
	v11 =	vmul.f32 $6.931471820e-01, v11  }
0x4e: {  	v14 =	vmul.f32 v15, v1;
	v15 =	vor.u32 $0x3F800000, v16;
	v13 =	vadd.f32 $2.000000030e-01, v13  }
0x4f: {  	vm2 =	vmmov vm0;
	v16 =	vmul.f32 $5.000000000e-01, v15;
	v11 =	vadd.f32 v18, v11  }
0x50: {  	s4 =	sadd.s32 $0x20, s4;
	vm0 =	vgt.f32 v15, $1.414213540e+00;
	v17 =	vld.idx.msk [tilespmem:v9+s3+$0x0], $0xffff;
	v9 =	vmul.f32 $1.442695020e+00, v14;
	v12 =	vpop (erf);
	v13 =	vmul.f32 v13, v8  }
0x51: {  	s6 =	sand.u32 $0x70, s5;
	s7 =	sand.u32 $0x700, s4;
	v18 =	vld.idx.msk [tilespmem:v10+s3+$0x0], $0xffff;
	v10 =	vadd.f32 $-1.000000000e+00, v7;
	v7 =	vsel vm0, v16, v15;
	v5 =	vadd.f32 v11, v5  }
0x52: {  	s6 =	sor.u32 s6, s7;
	(erf) = vpow2.f32 v9;
	v11 =	vadd.f32 $1.000000000e+00, v7;
	v14 =	vpop (erf);
	v13 =	vadd.f32 $3.333333430e-01, v13  }
.Ltmp0:
0x53: {  	v16 =	vsel vm1, $0x1, v0;
	v9 =	vld [tilespmem:s6+$0x0];
	v15 =	vmul.f32 v14, v10;
	v14 =	vshra.s32 v3, $0x17;
	v3 =	vmovc v2;
	v2 =	vmovc v4;
	(pc) =	sbr.rel @p0 .LBB2_1-.Ltmp0, $4  }
0x54: {  	v10 =	vld [tilespmem:s6+$0x80];
	(erf) = vrcp.f32 v11;
	v11 =	vadd.s32 v16, v14;
	v13 =	vmul.f32 v13, v8  }
0x55: {  	v4 =	vadd.f32 $1.000000000e+00, v12;
	v8 =	vmul.f32 v15, v15;
	v11 =	vadd.s32 $0xFFFFFF81, v11  }
0x56: {  	v12 =	vadd.f32 v6, v6;
	v6 =	vmovc v15;
	v11 =	vcvt.s32.f32 v11;
	v14 =	vadd.f32 $1.000000000e+00, v13  }
0x57: {  	s5 =	sadd.s32 $0x10, s5;
	vm1 =	vmmov vm2;
	v15 =	vsub.f32 v18, v17;
	v13 =	vmul.f32 $1.428571490e-01, v8  }
0x58: {  	_ =	sdelay $0x3  }
0x59: {  	v9 =	vld.idx.msk [tilespmem:v9+s3+$0x0], $0xffff  }
0x5a: {  	v10 =	vld.idx.msk [tilespmem:v10+s3+$0x0], $0xffff;
	_ =	sdelay $0x2  }
0x5b: {  	v16 =	vand.u32 $0x7FFFFF, v4;
	v12 =	vmul.f32 v14, v12  }
0x5c: {  	v52 =	vmul.f32 $6.931471820e-01, v11;
	v7 =	vadd.f32 $-1.000000000e+00, v7;
	v16 =	vor.u32 $0x3F800000, v16  }
0x5d: {  	v15 =	vmul.f32 v15, v1;
	v51 =	vmul.f32 $5.000000000e-01, v16;
	v9 =	vsub.f32 v10, v9  }
0x5e: {  	vm0 =	vmmov vm0;
	v3 =	vshra.s32 v3, $0x17;
	vm2 =	vgt.f32 v16, $1.414213540e+00  }
0x5f: {  	v15 =	vmul.f32 $1.442695020e+00, v15;
	v54 =	vsel vm2, v51, v16;
	v55 =	vmul.f32 v9, v1  }
0x60: {  	v59 =	vsel vm1, $0x1, v0;
	v6 =	vadd.f32 v6, v6;
	v14 =	vadd.f32 $1.000000000e+00, v54  }
0x61: {  	v53 =	vadd.f32 $2.000000030e-01, v13;
	(erf) = vpow2.f32 v15;
	v1 =	vmul.f32 $1.442695020e+00, v55  }
0x62: {  	v2 =	vshra.s32 v2, $0x17;
	v33 =	vshra.s32 v4, $0x17;
	v57 =	vpop (erf);
	(erf) = vrcp.f32 v14  }
0x63: {  	v60 =	vadd.s32 v59, v3;
	v11 =	vmul.f32 v53, v8;
	v58 =	vpop (erf);
	(erf) = vpow2.f32 v1  }
0x64: {  	vm0 =	vmmov vm0;
	v56 =	vadd.f32 v12, v52;
	v10 =	vadd.f32 $1.000000000e+00, v57  }
0x65: {  	v27 =	vsel vm0, $0x1, v0;
	vm3 =	vmmov vm2;
	v11 =	vadd.f32 $3.333333430e-01, v11  }
0x66: {  	v2 =	vadd.s32 v27, v2;
	v5 =	vadd.f32 v56, v5;
	v62 =	vand.u32 $0x7FFFFF, v10  }
0x67: {  	vm13 =	vmmov vm3;
	v61 =	vmul.f32 v11, v8;
	v8 =	vor.u32 $0x3F800000, v62  }
0x68: {  	v2 =	vadd.s32 $0xFFFFFF81, v2;
	v19 =	vadd.f32 $-1.000000000e+00, v54;
	v16 =	vmul.f32 $5.000000000e-01, v8  }
0x69: {  	v29 =	vsel vm13, $0x1, v0;
	v2 =	vcvt.s32.f32 v2;
	vm11 =	vgt.f32 v8, $1.414213540e+00  }
0x6a: {  	v7 =	vmul.f32 v58, v7;
	v4 =	vadd.s32 v29, v33;
	v8 =	vsel vm11, v16, v8;
	v17 =	vpop (erf)  }
0x6b: {  	v1 =	vadd.s32 $0xFFFFFF81, v60;
	v20 =	vadd.f32 $1.000000000e+00, v8;
	v12 =	vadd.f32 $1.000000000e+00, v17;
	v22 =	vpop (erf)  }
0x6c: {  	v63 =	vmul.f32 v7, v7;
	v3 =	vadd.f32 $1.000000000e+00, v61;
	v1 =	vcvt.s32.f32 v1;
	v25 =	vpop (erf)  }
0x6d: {  	(erf) = vrcp.f32 v20;
	v23 =	vand.u32 $0x7FFFFF, v12;
	v13 =	vadd.f32 $1.000000000e+00, v25  }
0x6e: {  	v18 =	vmul.f32 $1.428571490e-01, v63;
	v3 =	vmul.f32 v3, v6;
	v24 =	vor.u32 $0x3F800000, v23  }
0x6f: {  	v1 =	vmul.f32 $6.931471820e-01, v1;
	v26 =	vmul.f32 $5.000000000e-01, v24;
	v28 =	vand.u32 $0x7FFFFF, v13  }
0x70: {  	v9 =	vmul.f32 v22, v19;
	vm12 =	vgt.f32 v24, $1.414213540e+00;
	v15 =	vor.u32 $0x3F800000, v28  }
0x71: {  	v1 =	vadd.f32 v3, v1;
	v3 =	vsel vm12, v26, v24;
	v19 =	vmul.f32 $5.000000000e-01, v15  }
0x72: {  	v21 =	vadd.f32 $2.000000030e-01, v18;
	v18 =	vadd.f32 $1.000000000e+00, v3;
	vm14 =	vgt.f32 v15, $1.414213540e+00  }
0x73: {  	v2 =	vmul.f32 $6.931471820e-01, v2;
	v4 =	vadd.s32 $0xFFFFFF81, v4;
	v15 =	vsel vm14, v19, v15  }
0x74: {  	v6 =	vmul.f32 v21, v63;
	(erf) = vrcp.f32 v18;
	v19 =	vadd.f32 $1.000000000e+00, v15  }
0x75: {  	v7 =	vadd.f32 v7, v7;
	v4 =	vcvt.s32.f32 v4;
	v14 =	vmul.f32 v9, v9  }
0x76: {  	vm1 =	vmmov vm11;
	v6 =	vadd.f32 $3.333333430e-01, v6;
	v31 =	vpop (erf);
	(erf) = vrcp.f32 v19  }
0x77: {  	v45 =	vshra.s32 v10, $0x17;
	vm1 =	vmmov vm1;
	v17 =	vmul.f32 $1.428571490e-01, v14  }
0x78: {  	v4 =	vmul.f32 $6.931471820e-01, v4;
	v46 =	vsel vm1, $0x1, v0;
	v6 =	vmul.f32 v6, v63  }
0x79: {  	v8 =	vadd.f32 $-1.000000000e+00, v8;
	v48 =	vadd.s32 v46, v45;
	v17 =	vadd.f32 $2.000000030e-01, v17  }
0x7a: {  	v52 =	vshra.s32 v12, $0x17;
	v35 =	vadd.f32 v9, v9;
	v6 =	vadd.f32 $1.000000000e+00, v6  }
0x7b: {  	vm2 =	vmmov vm12;
	v30 =	vmul.f32 v17, v14;
	v8 =	vmul.f32 v31, v8  }
0x7c: {  	v1 =	vadd.f32 v1, v5;
	vm15 =	vmmov vm2;
	v3 =	vadd.f32 $-1.000000000e+00, v3  }
0x7d: {  	v6 =	vmul.f32 v6, v7;
	v32 =	vadd.f32 $3.333333430e-01, v30;
	v34 =	vmul.f32 v8, v8;
	v40 =	vpop (erf)  }
0x7e: {  	v53 =	vsel vm15, $0x1, v0;
	v42 =	vadd.f32 $-1.000000000e+00, v15;
	v3 =	vmul.f32 v40, v3  }
0x7f: {  	v55 =	vadd.s32 v53, v52;
	v11 =	vmul.f32 v32, v14;
	v37 =	vmul.f32 $1.428571490e-01, v34;
	v44 =	vpop (erf)  }
0x80: {  	v2 =	vadd.f32 v6, v2;
	v43 =	vmul.f32 v3, v3;
	v6 =	vmul.f32 v44, v42  }
0x81: {  	v58 =	vshra.s32 v13, $0x17;
	v36 =	vadd.f32 $1.000000000e+00, v11;
	v39 =	vadd.f32 $2.000000030e-01, v37  }
0x82: {  	v1 =	vadd.f32 v2, v1;
	v47 =	vmul.f32 $1.428571490e-01, v43;
	v49 =	vmul.f32 v6, v6  }
0x83: {  	vm0 =	vmmov vm14;
	v38 =	vmul.f32 v36, v35;
	v41 =	vmul.f32 v39, v34  }
0x84: {  	v8 =	vadd.f32 v8, v8;
	v50 =	vadd.f32 $2.000000030e-01, v47;
	v51 =	vmul.f32 $1.428571490e-01, v49  }
0x85: {  	vm0 =	vmmov vm0;
	v4 =	vadd.f32 v38, v4;
	v2 =	vadd.f32 $3.333333430e-01, v41  }
0x86: {  	v59 =	vsel vm0, $0x1, v0;
	v9 =	vmul.f32 v50, v43;
	v10 =	vadd.f32 $2.000000030e-01, v51  }
0x87: {  	v0 =	vadd.s32 v59, v58;
	v1 =	vadd.f32 v4, v1;
	v2 =	vmul.f32 v2, v34  }
0x88: {  	v4 =	vadd.s32 $0xFFFFFF81, v48;
	v54 =	vadd.f32 $3.333333430e-01, v9;
	v10 =	vmul.f32 v10, v49  }
0x89: {  	v0 =	vadd.s32 $0xFFFFFF81, v0;
	v4 =	vcvt.s32.f32 v4;
	v2 =	vadd.f32 $1.000000000e+00, v2  }
0x8a: {  	v3 =	vadd.f32 v3, v3;
	v5 =	vmul.f32 v54, v43;
	v57 =	vadd.f32 $3.333333430e-01, v10  }
0x8b: {  	v4 =	vmul.f32 $6.931471820e-01, v4;
	v2 =	vmul.f32 v2, v8;
	v9 =	vadd.s32 $0xFFFFFF81, v55  }
0x8c: {  	v56 =	vcvt.s32.f32 v9;
	v5 =	vadd.f32 $1.000000000e+00, v5;
	v60 =	vmul.f32 v57, v49  }
0x8d: {  	v0 =	vcvt.s32.f32 v0;
	v6 =	vadd.f32 v6, v6;
	v2 =	vadd.f32 v2, v4  }
0x8e: {  	v61 =	vmul.f32 $6.931471820e-01, v56;
	v3 =	vmul.f32 v5, v3;
	v4 =	vadd.f32 $1.000000000e+00, v60  }
0x8f: {  	v0 =	vmul.f32 $6.931471820e-01, v0  }
0x90: {  	v1 =	vadd.f32 v2, v1;
	v62 =	vadd.f32 v3, v61;
	v63 =	vmul.f32 v4, v6;
	_ =	sdelay $0x1  }
0x91: {  	v1 =	vadd.f32 v62, v1;
	v0 =	vadd.f32 v63, v0;
	_ =	sdelay $0x1  }
0x92: {  	v0 =	vadd.f32 v0, v1  }
0x93: {  	s29 =	sshll.u32 s1, $0x4;
	s30 =	simm.s32 $0x0  }
0x94: {  	s4 =	simm.s32 $0xC80;
	s31 =	simm.s32 $0x1;
	s2 =	sadd.s32 s2, s29;
	[tilespmem:$0xC80] =	vst v0  }
0x95: {  	[hbm4b:s2+s30] =	stream.linear.scatter [tilespmem:s4], [sflag:$0x1], $0x80, $0x38;
	[tilespmem:$0xD00] =	vst v63  }
0x96: {  	_ =	swait.ge [sflag:s31], $0x80  }
0x97: {  	[sflag:s31] =	ssyncset.done $0x0  }
0x98: {  	[sflag:s31] =	ssyncadd.s32 $0xFFFFFF80  }
0x99: {  	_ =	sfence.sel $0x180000  }
0x9a: {  	[bflag:$0x0] =	sbarrier.arrive $0xFFFF  }
0x9b: {  	p0 =	sne.s32 s1, $0x0;
	_ =	strace $0x90000047  }
0x9c: {  	s0 =	sadd.s32 @!p0 $0x100000, s0;
	[bflag:$0x2] =	sbarrier.arrive $0xFFFF  }
0x9d: {  	[sflag:s0] =	ssyncadd.tile.s32 @!p0 $0x1;
	_ =	shalt  }
.Lfunc_end2:
_tile_overlayer_lowered:
.L_overlay_start_2:
0x9e: {  	(tag) =	ssettag $0x2  }
0x9f: {  	s0 =	rddreg [dreg:$0x0];
	s2 =	stileid.u32  }
0xa0: {  	s1 =	rddreg [dreg:$0x1];
	p0 =	sne.s32 s2, $0x0  }
0xa1: {  	s3 =	rddreg [dreg:$0x2];
	[bflag:$0x3] =	sbarrier.arrive $0xFFFF;
	s2 =	simm.s32 @!p0 $0x1C01  }
0xa2: {  	[timem:s3], [sflag:s2] =	dma.local @!p0 [hbm:s0], s1  }
0xa3: {  	s0 =	simm.s32 @!p0 $0x1  }
0xa4: {  	_ =	swait.ge @!p0 [sflag:s0], s1  }
0xa5: {  	s1 =	ssub.s32 @!p0 $0x0, s1;
	[sflag:s0] =	ssyncset.done @!p0 $0x0  }
0xa6: {  	[sflag:s0] =	ssyncadd.s32 @!p0 s1  }
0xa7: {  	[bflag:$0x3] =	sbarrier.arrive $0xFFFF  }
0xa8: {  	_ =	shalt  }

</sc_bundles>
